<compile_context>
chip_gen: v7x
topology: tpu7x:2x2x1
jax: 0.10.2.dev20260603
libtpu: 0.0.44.dev20260713+nightly
codegen_flags: <defaults>
</compile_context>

<pallas_src>
import functools

import jax
import jax.numpy as jnp
from jax import lax
from jax.experimental import pallas as pl
from jax.experimental.pallas import tpu as pltpu
from jax.experimental.pallas import tpu_sc as plsc

HID = 96
NCODES = 8192
M_BLK = 896
N_CHUNK = 1024


def _conv2d(x, w, b, stride, pad):
    out = lax.conv_general_dilated(
        x, w, (stride, stride), ((pad, pad), (pad, pad)),
        dimension_numbers=("NCHW", "OIHW", "NCHW"))
    return out + b[None, :, None, None]



def _vq_body(f_ref, s2_ref, cbt_ref, cb2_ref, idx_ref, best_ref, bidx_ref):
    j = pl.program_id(1)
    nchunks = NCODES // N_CHUNK
    f = f_ref[...].astype(jnp.float32)
    s2 = s2_ref[...]
    mm = lax.dot_general(f, cbt_ref[...], (((1,), (0,)), ((), ())),
                         preferred_element_type=jnp.float32)
    dists = (s2 - 2.0 * mm) + cb2_ref[...]
    cmin = jnp.min(dists, axis=1, keepdims=True)
    iota = lax.broadcasted_iota(jnp.int32, (M_BLK, N_CHUNK), 1)
    cidx = jnp.min(jnp.where(dists == cmin, iota, jnp.int32(1 << 30)),
                   axis=1, keepdims=True) + j * N_CHUNK

    @pl.when(j == 0)
    def _():
        best_ref[...] = cmin
        bidx_ref[...] = cidx

    @pl.when(j > 0)
    def _():
        upd = cmin < best_ref[...]
        best_ref[...] = jnp.where(upd, cmin, best_ref[...])
        bidx_ref[...] = jnp.where(upd, cidx, bidx_ref[...])

    @pl.when(j == nchunks - 1)
    def _():
        idx_ref[...] = bidx_ref[...]


def _vq_argmin(flat, s2, cbt, cb2, interpret=False):
    m = flat.shape[0]
    grid = (m // M_BLK, NCODES // N_CHUNK)
    return pl.pallas_call(
        _vq_body,
        grid=grid,
        in_specs=[
            pl.BlockSpec((M_BLK, HID), lambda i, j: (i, 0)),
            pl.BlockSpec((M_BLK, 1), lambda i, j: (i, 0)),
            pl.BlockSpec((HID, N_CHUNK), lambda i, j: (0, j)),
            pl.BlockSpec((1, N_CHUNK), lambda i, j: (0, j)),
        ],
        name="vq_argmin",
        out_specs=pl.BlockSpec((M_BLK, 1), lambda i, j: (i, 0)),
        out_shape=jax.ShapeDtypeStruct((m, 1), jnp.int32),
        scratch_shapes=[pltpu.VMEM((M_BLK, 1), jnp.float32),
                        pltpu.VMEM((M_BLK, 1), jnp.int32)],
        compiler_params=pltpu.CompilerParams(
            dimension_semantics=("parallel", "arbitrary")),
        interpret=interpret,
    )(flat, s2, cbt, cb2)



def _gather_zq(codebook, idx):
    m = idx.shape[0]
    d = codebook.shape[1]
    info = plsc.get_sparse_core_info()
    nw = info.num_cores * info.num_subcores
    bpw = m // nw
    sizes = []
    off = 0
    while off < bpw:
        sizes.append(min(128, bpw - off))
        off += sizes[-1]
    mesh = plsc.VectorSubcoreMesh(core_axis_name="c", subcore_axis_name="s")

    @functools.partial(
        pl.kernel,
        out_type=jax.ShapeDtypeStruct((m, d), jnp.float32),
        mesh=mesh,
        scratch_types=[
            pltpu.VMEM((bpw,), jnp.int32),
            pltpu.VMEM((bpw, d), jnp.float32),
            pltpu.SemaphoreType.DMA,
        ],
    )
    def k(idx_hbm, table_hbm, out_hbm, idx_v, rows_v, sem):
        wid = lax.axis_index("s") * info.num_cores + lax.axis_index("c")
        base = wid * bpw
        pltpu.sync_copy(idx_hbm.at[pl.ds(base, bpw)], idx_v)
        copies = []
        o = 0
        for sz in sizes:
            copies.append(pltpu.async_copy(
                table_hbm.at[idx_v.at[pl.ds(o, sz)]],
                rows_v.at[pl.ds(o, sz), :], sem))
            o += sz
        for c in copies:
            c.wait()
        pltpu.sync_copy(rows_v, out_hbm.at[pl.ds(base, bpw)])

    return k(idx, codebook)



def _deconv_body(zp_ref, w_ref, b_ref, g_ref, *, p, kout, relu):
    bias = b_ref[...]

    def row(r, _):
        acc = jnp.zeros((p, kout), jnp.float32) + bias
        for a in (0, 1):
            for bb in (0, 1):
                xrow = zp_ref[0, r + a, pl.ds(bb, p), :]
                acc = acc + lax.dot_general(
                    xrow, w_ref[a, bb], (((1,), (0,)), ((), ())),
                    preferred_element_type=jnp.float32)
        if relu:
            acc = jnp.maximum(acc, 0.0)
        g_ref[0, r, :, :] = acc
        return 0

    lax.fori_loop(0, p, row, 0)


def _deconv_phases(zp, wd, bcat, relu, interpret=False):
    b, pp1, _, _ = zp.shape
    p = pp1 - 1
    kout = wd.shape[-1]
    body = functools.partial(_deconv_body, p=p, kout=kout, relu=relu)
    return pl.pallas_call(
        body,
        grid=(b,),
        in_specs=[
            pl.BlockSpec((1, pp1, pp1, HID), lambda n: (n, 0, 0, 0)),
            pl.BlockSpec((2, 2, HID, kout), lambda n: (0, 0, 0, 0)),
            pl.BlockSpec((1, kout), lambda n: (0, 0)),
        ],
        out_specs=pl.BlockSpec((1, p, p, kout), lambda n: (n, 0, 0, 0)),
        out_shape=jax.ShapeDtypeStruct((b, p, p, kout), jnp.float32),
        interpret=interpret,
    )(zp, wd, bcat)


_KY = ((3, 1), (2, 0))


def _deconv_weights(w):
    rows = []
    for a in (0, 1):
        cols = []
        for b in (0, 1):
            blk = jnp.concatenate(
                [w[:, :, _KY[ry][a], _KY[rx][b]]
                 for ry in (0, 1) for rx in (0, 1)], axis=1)
            cols.append(blk)
        rows.append(jnp.stack(cols, 0))
    return jnp.stack(rows, 0)


def _depth_to_space(g, n, cout):
    b = g.shape[0]
    g6 = g.reshape(b, n + 1, n + 1, 2, 2, cout)
    ph = [[g6[:, ry:n + ry, rx:n + rx, ry, rx, :] for rx in (0, 1)]
          for ry in (0, 1)]
    t = jnp.stack([jnp.stack(ph[0], 3), jnp.stack(ph[1], 3)], 3)
    t = jnp.transpose(t, (0, 1, 3, 2, 4, 5))
    return t.reshape(b, 2 * n, 2 * n, cout)



def kernel(x, conv1_w, conv1_b, conv2_w, conv2_b, codebook,
           deconv1_w, deconv1_b, deconv2_w, deconv2_b):
    h1 = jax.nn.relu(_conv2d(x, conv1_w, conv1_b, 2, 1))
    z_e = jax.nn.relu(_conv2d(h1, conv2_w, conv2_b, 2, 1))
    bz, c, hq, wq = z_e.shape
    flat = jnp.transpose(z_e, (0, 2, 3, 1)).reshape(-1, c)
    s2 = (flat ** 2).sum(1, keepdims=True)
    cb2 = (codebook ** 2).sum(1)[None, :]
    flat_bf = flat.astype(jnp.bfloat16)
    cbt = codebook.T

    idx = _vq_argmin(flat_bf, s2, cbt, cb2).reshape(-1)
    cb_pad = jnp.pad(codebook, ((0, 0), (0, 128 - HID)))
    zq_flat = _gather_zq(cb_pad, idx)[:, :HID]
    zq_nhwc = zq_flat.reshape(bz, hq, wq, c)
    z_q = jnp.transpose(zq_nhwc, (0, 3, 1, 2))

    w1d = _deconv_weights(deconv1_w)
    b1c = jnp.tile(deconv1_b, 4)[None, :]
    zp = jnp.pad(zq_nhwc, ((0, 0), (1, 1), (1, 1), (0, 0)))
    g1 = _deconv_phases(zp, w1d, b1c, relu=True)
    d1 = _depth_to_space(g1, hq, HID)

    w2d = _deconv_weights(deconv2_w)
    b2c = jnp.tile(deconv2_b, 4)[None, :]
    d1p = jnp.pad(d1, ((0, 0), (1, 1), (1, 1), (0, 0)))
    g2 = _deconv_phases(d1p, w2d, b2c, relu=False)
    xr = _depth_to_space(g2, 2 * hq, 3)
    x_recon = jnp.transpose(xr, (0, 3, 1, 2))
    return (x_recon, z_q)

# --- scband reference (transcript-rebuilt; emitter-appended) ---
"""Pipeline reference for scband-vqvae-37512244363341 (READ-ONLY COPY).

The authoritative reference and input builder live on the scoring server;
editing this copy changes nothing except your own understanding.
"""

import jax, jax.numpy as jnp
import numpy as np
from jax import lax

B, IN_CH, H, W = 4, 3, 224, 224
HIDDEN = 96
NUM_CODES = 8192


def _uinit(k, shape, fan_in):
    bound = 1.0 / np.sqrt(fan_in)
    return jax.random.uniform(k, shape, jnp.float32, -bound, bound)


def setup_inputs(seed: int = 0) -> dict:
    key = jax.random.key(seed)
    ks = jax.random.split(key, 10)
    x = jax.random.normal(ks[0], (B, IN_CH, H, W), dtype=jnp.float32)
    conv1_w = _uinit(ks[1], (HIDDEN, IN_CH, 4, 4), IN_CH * 16)
    conv1_b = _uinit(ks[2], (HIDDEN,), IN_CH * 16)
    conv2_w = _uinit(ks[3], (HIDDEN, HIDDEN, 4, 4), HIDDEN * 16)
    conv2_b = _uinit(ks[4], (HIDDEN,), HIDDEN * 16)
    codebook = jax.random.uniform(ks[5], (NUM_CODES, HIDDEN), jnp.float32, -1.0 / NUM_CODES, 1.0 / NUM_CODES)
    deconv1_w = _uinit(ks[6], (HIDDEN, HIDDEN, 4, 4), HIDDEN * 16)
    deconv1_b = _uinit(ks[7], (HIDDEN,), HIDDEN * 16)
    deconv2_w = _uinit(ks[8], (HIDDEN, IN_CH, 4, 4), HIDDEN * 16)
    deconv2_b = _uinit(ks[9], (IN_CH,), HIDDEN * 16)
    return {
        "x": x,
        "conv1_w": conv1_w, "conv1_b": conv1_b,
        "conv2_w": conv2_w, "conv2_b": conv2_b,
        "codebook": codebook,
        "deconv1_w": deconv1_w, "deconv1_b": deconv1_b,
        "deconv2_w": deconv2_w, "deconv2_b": deconv2_b,
    }


def conv2d(x, w, b, stride, pad):
    out = lax.conv_general_dilated(
        x, w, (stride, stride), ((pad, pad), (pad, pad)),
        dimension_numbers=("NCHW", "OIHW", "NCHW"))
    return out + b[None, :, None, None]


def conv_transpose2d(x, w, b, stride, pad):
    # w has PyTorch ConvTranspose2d layout (C_in, C_out, kH, kW)
    k = w.shape[2]
    w_t = jnp.flip(w, axis=(2, 3)).transpose(1, 0, 2, 3)  # (C_out, C_in, k, k)
    p = k - 1 - pad
    out = lax.conv_general_dilated(
        x, w_t, (1, 1), ((p, p), (p, p)),
        lhs_dilation=(stride, stride),
        dimension_numbers=("NCHW", "OIHW", "NCHW"))
    return out + b[None, :, None, None]


def reference(x, conv1_w, conv1_b, conv2_w, conv2_b, codebook,
              deconv1_w, deconv1_b, deconv2_w, deconv2_b):
    # encoder
    h1 = jax.nn.relu(conv2d(x, conv1_w, conv1_b, 2, 1))
    z_e = jax.nn.relu(conv2d(h1, conv2_w, conv2_b, 2, 1))
    # vector quantizer
    Bz, C, Hq, Wq = z_e.shape
    flat = jnp.transpose(z_e, (0, 2, 3, 1)).reshape(-1, C)
    dists = (flat ** 2).sum(1, keepdims=True) - 2.0 * (flat @ codebook.T) + (codebook ** 2).sum(1)
    idx = jnp.argmin(dists, axis=1)
    z_q = jnp.take(codebook, idx, axis=0).reshape(Bz, Hq, Wq, C)
    z_q = jnp.transpose(z_q, (0, 3, 1, 2))
    # decoder
    d1 = jax.nn.relu(conv_transpose2d(z_q, deconv1_w, deconv1_b, 2, 1))
    x_recon = conv_transpose2d(d1, deconv2_w, deconv2_b, 2, 1)
    return (x_recon, z_q)

if __name__ == "__main__":
    import jax
    _d = setup_inputs()
    print(jax.jit(kernel)(*tuple(_d.values())))

</pallas_src>

<mosaic_0001>
#map = affine_map<(d0, d1) -> (0)>
#map1 = affine_map<(d0, d1) -> (0, 0)>
module attributes {stable_mosaic.version = 14 : i64} {
  func.func @k(%arg0: i32, %arg1: i32, %arg2: memref<12544xi32, #tpu.memory_space<hbm>>, %arg3: memref<8192x128xf32, #tpu.memory_space<hbm>>, %arg4: memref<12544x128xf32, #tpu.memory_space<hbm>>, %arg5: memref<392xi32, #tpu.memory_space<vmem>>, %arg6: memref<392x128xf32, #tpu.memory_space<vmem>>, %arg7: memref<!tpu.dma_semaphore, #tpu.memory_space<semaphore_mem>>) attributes {dimension_semantics = [#tpu.dimension_semantics<core_parallel>, #tpu.dimension_semantics<subcore_parallel>], iteration_bounds = array<i64: 2, 16>, scalar_prefetch = 0 : i64, scratch_operands = 3 : i64, tpu.core_type = #tpu.core_type<sc_vector_subcore>, window_params = [{transform_indices = #map}, {transform_indices = #map1}, {transform_indices = #map1}]} {
    %mul3A = arith.constant 2 : i32
    %mul3A_0 = arith.muli %arg1, %mul3A : i32
    %add3A = arith.addi %mul3A_0, %arg0 : i32
    %mul3A_1 = arith.constant 392 : i32
    %mul3A_2 = arith.muli %add3A, %mul3A_1 : i32
    "tpu.region"() ({
      %run_scoped3A = tpu.sem_alloc : memref<!tpu.dma_semaphore, #tpu.memory_space<semaphore_mem>>
      %dma_start3A_65 = tpu.memref_slice %arg2[%mul3A_2] : memref<12544xi32, #tpu.memory_space<hbm>> -> memref<392xi32, #tpu.memory_space<hbm>>
      %dma_start3A_66 = tpu.memref_slice %arg2[%mul3A_2] : memref<12544xi32, #tpu.memory_space<hbm>> -> memref<392xi32, #tpu.memory_space<hbm>>
      tpu.enqueue_dma source(%dma_start3A_66 : memref<392xi32, #tpu.memory_space<hbm>>) target(%arg5 : memref<392xi32, #tpu.memory_space<vmem>>) target_semaphore(%run_scoped3A : memref<!tpu.dma_semaphore, #tpu.memory_space<semaphore_mem>>)
      %dma_wait3A_67 = tpu.memref_slice %arg2[%mul3A_2] : memref<12544xi32, #tpu.memory_space<hbm>> -> memref<392xi32, #tpu.memory_space<hbm>>
      %dma_wait3A_68 = tpu.memref_slice %arg2[%mul3A_2] : memref<12544xi32, #tpu.memory_space<hbm>> -> memref<392xi32, #tpu.memory_space<hbm>>
      tpu.wait_dma2 semaphore(%run_scoped3A : memref<!tpu.dma_semaphore, #tpu.memory_space<semaphore_mem>>) src(%dma_wait3A_68 : memref<392xi32, #tpu.memory_space<hbm>>) dst(%arg5 : memref<392xi32, #tpu.memory_space<vmem>>)
      tpu.yield
    }) : () -> ()
    %dma_start3A = arith.constant 0 : i32
    %dma_start3A_3 = arith.constant 0 : i32
    %dma_start3A_4 = tpu.memref_slice %arg6[%dma_start3A, %dma_start3A_3] : memref<392x128xf32, #tpu.memory_space<vmem>> -> memref<128x128xf32, #tpu.memory_space<vmem>>
    %dma_start3A_5 = arith.constant 0 : i32
    %dma_start3A_6 = tpu.memref_slice %arg5[%dma_start3A_5] : memref<392xi32, #tpu.memory_space<vmem>> -> memref<128xi32, #tpu.memory_space<vmem>>
    %dma_start3A_7 = arith.constant 0 : i32
    %dma_start3A_8 = arith.constant 0 : i32
    %dma_start3A_9 = tpu.memref_slice %arg3[%dma_start3A_7, %dma_start3A_8] : memref<8192x128xf32, #tpu.memory_space<hbm>> -> memref<8192x128xf32, #tpu.memory_space<hbm>>
    tpu.enqueue_indirect_dma source(%dma_start3A_9 : memref<8192x128xf32, #tpu.memory_space<hbm>>) target(%dma_start3A_4 : memref<128x128xf32, #tpu.memory_space<vmem>>) offsets(%dma_start3A_6 : memref<128xi32, #tpu.memory_space<vmem>>) semaphore(%arg7 : memref<!tpu.dma_semaphore, #tpu.memory_space<semaphore_mem>>)
    %dma_start3A_10 = arith.constant 128 : i32
    %dma_start3A_11 = arith.constant 0 : i32
    %dma_start3A_12 = tpu.memref_slice %arg6[%dma_start3A_10, %dma_start3A_11] : memref<392x128xf32, #tpu.memory_space<vmem>> -> memref<128x128xf32, #tpu.memory_space<vmem>>
    %dma_start3A_13 = arith.constant 128 : i32
    %dma_start3A_14 = tpu.memref_slice %arg5[%dma_start3A_13] : memref<392xi32, #tpu.memory_space<vmem>> -> memref<128xi32, #tpu.memory_space<vmem>>
    %dma_start3A_15 = arith.constant 0 : i32
    %dma_start3A_16 = arith.constant 0 : i32
    %dma_start3A_17 = tpu.memref_slice %arg3[%dma_start3A_15, %dma_start3A_16] : memref<8192x128xf32, #tpu.memory_space<hbm>> -> memref<8192x128xf32, #tpu.memory_space<hbm>>
    tpu.enqueue_indirect_dma source(%dma_start3A_17 : memref<8192x128xf32, #tpu.memory_space<hbm>>) target(%dma_start3A_12 : memref<128x128xf32, #tpu.memory_space<vmem>>) offsets(%dma_start3A_14 : memref<128xi32, #tpu.memory_space<vmem>>) semaphore(%arg7 : memref<!tpu.dma_semaphore, #tpu.memory_space<semaphore_mem>>)
    %dma_start3A_18 = arith.constant 256 : i32
    %dma_start3A_19 = arith.constant 0 : i32
    %dma_start3A_20 = tpu.memref_slice %arg6[%dma_start3A_18, %dma_start3A_19] : memref<392x128xf32, #tpu.memory_space<vmem>> -> memref<128x128xf32, #tpu.memory_space<vmem>>
    %dma_start3A_21 = arith.constant 256 : i32
    %dma_start3A_22 = tpu.memref_slice %arg5[%dma_start3A_21] : memref<392xi32, #tpu.memory_space<vmem>> -> memref<128xi32, #tpu.memory_space<vmem>>
    %dma_start3A_23 = arith.constant 0 : i32
    %dma_start3A_24 = arith.constant 0 : i32
    %dma_start3A_25 = tpu.memref_slice %arg3[%dma_start3A_23, %dma_start3A_24] : memref<8192x128xf32, #tpu.memory_space<hbm>> -> memref<8192x128xf32, #tpu.memory_space<hbm>>
    tpu.enqueue_indirect_dma source(%dma_start3A_25 : memref<8192x128xf32, #tpu.memory_space<hbm>>) target(%dma_start3A_20 : memref<128x128xf32, #tpu.memory_space<vmem>>) offsets(%dma_start3A_22 : memref<128xi32, #tpu.memory_space<vmem>>) semaphore(%arg7 : memref<!tpu.dma_semaphore, #tpu.memory_space<semaphore_mem>>)
    %dma_start3A_26 = arith.constant 384 : i32
    %dma_start3A_27 = arith.constant 0 : i32
    %dma_start3A_28 = tpu.memref_slice %arg6[%dma_start3A_26, %dma_start3A_27] : memref<392x128xf32, #tpu.memory_space<vmem>> -> memref<8x128xf32, #tpu.memory_space<vmem>>
    %dma_start3A_29 = arith.constant 384 : i32
    %dma_start3A_30 = tpu.memref_slice %arg5[%dma_start3A_29] : memref<392xi32, #tpu.memory_space<vmem>> -> memref<8xi32, #tpu.memory_space<vmem>>
    %dma_start3A_31 = arith.constant 0 : i32
    %dma_start3A_32 = arith.constant 0 : i32
    %dma_start3A_33 = tpu.memref_slice %arg3[%dma_start3A_31, %dma_start3A_32] : memref<8192x128xf32, #tpu.memory_space<hbm>> -> memref<8192x128xf32, #tpu.memory_space<hbm>>
    tpu.enqueue_indirect_dma source(%dma_start3A_33 : memref<8192x128xf32, #tpu.memory_space<hbm>>) target(%dma_start3A_28 : memref<8x128xf32, #tpu.memory_space<vmem>>) offsets(%dma_start3A_30 : memref<8xi32, #tpu.memory_space<vmem>>) semaphore(%arg7 : memref<!tpu.dma_semaphore, #tpu.memory_space<semaphore_mem>>)
    %dma_wait3A = arith.constant 0 : i32
    %dma_wait3A_34 = arith.constant 0 : i32
    %dma_wait3A_35 = tpu.memref_slice %arg6[%dma_wait3A, %dma_wait3A_34] : memref<392x128xf32, #tpu.memory_space<vmem>> -> memref<128x128xf32, #tpu.memory_space<vmem>>
    %dma_wait3A_36 = arith.constant 0 : i32
    %dma_wait3A_37 = tpu.memref_slice %arg5[%dma_wait3A_36] : memref<392xi32, #tpu.memory_space<vmem>> -> memref<128xi32, #tpu.memory_space<vmem>>
    %dma_wait3A_38 = arith.constant 0 : i32
    %dma_wait3A_39 = arith.constant 0 : i32
    %dma_wait3A_40 = tpu.memref_slice %arg3[%dma_wait3A_38, %dma_wait3A_39] : memref<8192x128xf32, #tpu.memory_space<hbm>> -> memref<8192x128xf32, #tpu.memory_space<hbm>>
    tpu.wait_indirect_dma semaphore(%arg7 : memref<!tpu.dma_semaphore, #tpu.memory_space<semaphore_mem>>) src(%dma_wait3A_40 : memref<8192x128xf32, #tpu.memory_space<hbm>>) dst(%dma_wait3A_35 : memref<128x128xf32, #tpu.memory_space<vmem>>)
    %dma_wait3A_41 = arith.constant 128 : i32
    %dma_wait3A_42 = arith.constant 0 : i32
    %dma_wait3A_43 = tpu.memref_slice %arg6[%dma_wait3A_41, %dma_wait3A_42] : memref<392x128xf32, #tpu.memory_space<vmem>> -> memref<128x128xf32, #tpu.memory_space<vmem>>
    %dma_wait3A_44 = arith.constant 128 : i32
    %dma_wait3A_45 = tpu.memref_slice %arg5[%dma_wait3A_44] : memref<392xi32, #tpu.memory_space<vmem>> -> memref<128xi32, #tpu.memory_space<vmem>>
    %dma_wait3A_46 = arith.constant 0 : i32
    %dma_wait3A_47 = arith.constant 0 : i32
    %dma_wait3A_48 = tpu.memref_slice %arg3[%dma_wait3A_46, %dma_wait3A_47] : memref<8192x128xf32, #tpu.memory_space<hbm>> -> memref<8192x128xf32, #tpu.memory_space<hbm>>
    tpu.wait_indirect_dma semaphore(%arg7 : memref<!tpu.dma_semaphore, #tpu.memory_space<semaphore_mem>>) src(%dma_wait3A_48 : memref<8192x128xf32, #tpu.memory_space<hbm>>) dst(%dma_wait3A_43 : memref<128x128xf32, #tpu.memory_space<vmem>>)
    %dma_wait3A_49 = arith.constant 256 : i32
    %dma_wait3A_50 = arith.constant 0 : i32
    %dma_wait3A_51 = tpu.memref_slice %arg6[%dma_wait3A_49, %dma_wait3A_50] : memref<392x128xf32, #tpu.memory_space<vmem>> -> memref<128x128xf32, #tpu.memory_space<vmem>>
    %dma_wait3A_52 = arith.constant 256 : i32
    %dma_wait3A_53 = tpu.memref_slice %arg5[%dma_wait3A_52] : memref<392xi32, #tpu.memory_space<vmem>> -> memref<128xi32, #tpu.memory_space<vmem>>
    %dma_wait3A_54 = arith.constant 0 : i32
    %dma_wait3A_55 = arith.constant 0 : i32
    %dma_wait3A_56 = tpu.memref_slice %arg3[%dma_wait3A_54, %dma_wait3A_55] : memref<8192x128xf32, #tpu.memory_space<hbm>> -> memref<8192x128xf32, #tpu.memory_space<hbm>>
    tpu.wait_indirect_dma semaphore(%arg7 : memref<!tpu.dma_semaphore, #tpu.memory_space<semaphore_mem>>) src(%dma_wait3A_56 : memref<8192x128xf32, #tpu.memory_space<hbm>>) dst(%dma_wait3A_51 : memref<128x128xf32, #tpu.memory_space<vmem>>)
    %dma_wait3A_57 = arith.constant 384 : i32
    %dma_wait3A_58 = arith.constant 0 : i32
    %dma_wait3A_59 = tpu.memref_slice %arg6[%dma_wait3A_57, %dma_wait3A_58] : memref<392x128xf32, #tpu.memory_space<vmem>> -> memref<8x128xf32, #tpu.memory_space<vmem>>
    %dma_wait3A_60 = arith.constant 384 : i32
    %dma_wait3A_61 = tpu.memref_slice %arg5[%dma_wait3A_60] : memref<392xi32, #tpu.memory_space<vmem>> -> memref<8xi32, #tpu.memory_space<vmem>>
    %dma_wait3A_62 = arith.constant 0 : i32
    %dma_wait3A_63 = arith.constant 0 : i32
    %dma_wait3A_64 = tpu.memref_slice %arg3[%dma_wait3A_62, %dma_wait3A_63] : memref<8192x128xf32, #tpu.memory_space<hbm>> -> memref<8192x128xf32, #tpu.memory_space<hbm>>
    tpu.wait_indirect_dma semaphore(%arg7 : memref<!tpu.dma_semaphore, #tpu.memory_space<semaphore_mem>>) src(%dma_wait3A_64 : memref<8192x128xf32, #tpu.memory_space<hbm>>) dst(%dma_wait3A_59 : memref<8x128xf32, #tpu.memory_space<vmem>>)
    "tpu.region"() ({
      %run_scoped3A = tpu.sem_alloc : memref<!tpu.dma_semaphore, #tpu.memory_space<semaphore_mem>>
      %dma_start3A_65 = arith.constant 0 : i32
      %dma_start3A_66 = tpu.memref_slice %arg4[%mul3A_2, %dma_start3A_65] : memref<12544x128xf32, #tpu.memory_space<hbm>> -> memref<392x128xf32, #tpu.memory_space<hbm>>
      %dma_start3A_67 = arith.constant 0 : i32
      %dma_start3A_68 = tpu.memref_slice %arg4[%mul3A_2, %dma_start3A_67] : memref<12544x128xf32, #tpu.memory_space<hbm>> -> memref<392x128xf32, #tpu.memory_space<hbm>>
      tpu.enqueue_dma source(%arg6 : memref<392x128xf32, #tpu.memory_space<vmem>>) target(%dma_start3A_68 : memref<392x128xf32, #tpu.memory_space<hbm>>) target_semaphore(%run_scoped3A : memref<!tpu.dma_semaphore, #tpu.memory_space<semaphore_mem>>)
      %dma_wait3A_69 = arith.constant 0 : i32
      %dma_wait3A_70 = tpu.memref_slice %arg4[%mul3A_2, %dma_wait3A_69] : memref<12544x128xf32, #tpu.memory_space<hbm>> -> memref<392x128xf32, #tpu.memory_space<hbm>>
      %dma_wait3A_71 = arith.constant 0 : i32
      %dma_wait3A_72 = tpu.memref_slice %arg4[%mul3A_2, %dma_wait3A_71] : memref<12544x128xf32, #tpu.memory_space<hbm>> -> memref<392x128xf32, #tpu.memory_space<hbm>>
      tpu.wait_dma2 semaphore(%run_scoped3A : memref<!tpu.dma_semaphore, #tpu.memory_space<semaphore_mem>>) src(%arg6 : memref<392x128xf32, #tpu.memory_space<vmem>>) dst(%dma_wait3A_72 : memref<392x128xf32, #tpu.memory_space<hbm>>)
      tpu.yield
    }) : () -> ()
    return
  }
}

module attributes {stable_mosaic.version = 14 : i64} {
  func.func @vq_argmin(%arg0: i32, %arg1: i32, %arg2: memref<896x96xbf16, #tpu.memory_space<vmem>>, %arg3: memref<896x1xf32, #tpu.memory_space<vmem>>, %arg4: memref<96x1024xf32, #tpu.memory_space<vmem>>, %arg5: memref<1x1024xf32, #tpu.memory_space<vmem>>, %arg6: memref<896x1xi32, #tpu.memory_space<vmem>>, %arg7: memref<896x1xf32, #tpu.memory_space<vmem>>, %arg8: memref<896x1xi32, #tpu.memory_space<vmem>>) attributes {dimension_semantics = [#tpu.dimension_semantics<parallel>, #tpu.dimension_semantics<arbitrary>], iteration_bounds = array<i64: 14, 8>, scalar_prefetch = 0 : i64, scratch_operands = 2 : i64, tpu.core_type = #tpu.core_type<tc>, window_params = [{transform_indices = @transform_0, window_bounds = array<i64: 896, 96>}, {transform_indices = @transform_1, window_bounds = array<i64: 896, 1>}, {transform_indices = @transform_2, window_bounds = array<i64: 96, 1024>}, {transform_indices = @transform_3, window_bounds = array<i64: 1, 1024>}, {transform_indices = @transform_4, window_bounds = array<i64: 896, 1>}]} {
    %get3A = arith.constant 0 : index
    %get3A_0 = arith.constant 0 : index
    %get3A_1 = vector.load %arg2[%get3A, %get3A_0] : memref<896x96xbf16, #tpu.memory_space<vmem>>, vector<896x96xbf16>
    %convert_element_type3A = arith.extf %get3A_1 : vector<896x96xbf16> to vector<896x96xf32>
    %get3A_2 = arith.constant 0 : index
    %get3A_3 = arith.constant 0 : index
    %get3A_4 = vector.load %arg3[%get3A_2, %get3A_3] : memref<896x1xf32, #tpu.memory_space<vmem>>, vector<896x1xf32>
    %get3A_5 = arith.constant 0 : index
    %get3A_6 = arith.constant 0 : index
    %get3A_7 = vector.load %arg4[%get3A_5, %get3A_6] : memref<96x1024xf32, #tpu.memory_space<vmem>>, vector<96x1024xf32>
    %dot_general3A = arith.constant dense<0.000000e+00> : vector<896x1024xf32>
    %dot_general3A_8 = tpu.matmul %convert_element_type3A, %get3A_7, %dot_general3A {dimension_numbers = #tpu.dot_dimension_numbers<[1], [0], [0], [1], [0, 0, 1, 1], [], []>, transpose_lhs_hint = false} : vector<896x96xf32>, vector<96x1024xf32>, vector<896x1024xf32> -> vector<896x1024xf32>
    %mul3A = arith.constant 2.000000e+00 : f32
    %mul3A_9 = vector.broadcast %mul3A : f32 to vector<896x1024xf32>
    %mul3A_10 = arith.mulf %mul3A_9, %dot_general3A_8 : vector<896x1024xf32>
    %sub3A = vector.broadcast %get3A_4 : vector<896x1xf32> to vector<896x1024xf32>
    %sub3A_11 = arith.subf %sub3A, %mul3A_10 : vector<896x1024xf32>
    %get3A_12 = arith.constant 0 : index
    %get3A_13 = arith.constant 0 : index
    %get3A_14 = vector.load %arg5[%get3A_12, %get3A_13] : memref<1x1024xf32, #tpu.memory_space<vmem>>, vector<1x1024xf32>
    %add3A = vector.broadcast %get3A_14 : vector<1x1024xf32> to vector<896x1024xf32>
    %add3A_15 = arith.addf %sub3A_11, %add3A : vector<896x1024xf32>
    %reduce_min3A = arith.constant dense<0x7F800000> : vector<896xf32>
    %reduce_min3A_16 = vector.multi_reduction <minimumf>, %add3A_15, %reduce_min3A [1] : vector<896x1024xf32> to vector<896xf32>
    %broadcast_in_dim3A = vector.shape_cast %reduce_min3A_16 : vector<896xf32> to vector<896x1xf32>
    %iota3A = tpu.iota {dimensions = array<i32: 1>} : vector<896x1024xi32>
    %eq3A = vector.broadcast %broadcast_in_dim3A : vector<896x1xf32> to vector<896x1024xf32>
    %eq3A_17 = arith.cmpf oeq, %add3A_15, %eq3A : vector<896x1024xf32>
    %jit3A = arith.constant 1073741824 : i32
    %broadcast_in_dim3A_18 = vector.broadcast %jit3A : i32 to vector<896x1024xi32>
    %select_n3A = arith.select %eq3A_17, %iota3A, %broadcast_in_dim3A_18 : vector<896x1024xi1>, vector<896x1024xi32>
    %reduce_min3A_19 = arith.constant dense<2147483647> : vector<896xi32>
    %reduce_min3A_20 = vector.multi_reduction <minsi>, %select_n3A, %reduce_min3A_19 [1] : vector<896x1024xi32> to vector<896xi32>
    %broadcast_in_dim3A_21 = vector.shape_cast %reduce_min3A_20 : vector<896xi32> to vector<896x1xi32>
    %mul3A_22 = arith.constant 1024 : i32
    %mul3A_23 = arith.muli %arg1, %mul3A_22 : i32
    %add3A_24 = vector.broadcast %mul3A_23 : i32 to vector<896x1xi32>
    %add3A_25 = arith.addi %broadcast_in_dim3A_21, %add3A_24 : vector<896x1xi32>
    %eq3A_26 = arith.constant 0 : i32
    %eq3A_27 = arith.cmpi eq, %arg1, %eq3A_26 : i32
    %convert_element_type3A_28 = arith.extui %eq3A_27 : i1 to i32
    %cond3A = arith.constant 0 : i32
    %cond3A_29 = arith.cmpi ne, %convert_element_type3A_28, %cond3A : i32
    scf.if %cond3A_29 {
      %swap3A = arith.constant 0 : index
      %swap3A_39 = arith.constant 0 : index
      %swap3A_40 = vector.load %arg7[%swap3A, %swap3A_39] : memref<896x1xf32, #tpu.memory_space<vmem>>, vector<896x1xf32>
      tpu.vector_store %arg7[%swap3A, %swap3A_39], %broadcast_in_dim3A {strides = array<i32>} : memref<896x1xf32, #tpu.memory_space<vmem>>, vector<896x1xf32>,
      %swap3A_41 = arith.constant 0 : index
      %swap3A_42 = arith.constant 0 : index
      %swap3A_43 = vector.load %arg8[%swap3A_41, %swap3A_42] : memref<896x1xi32, #tpu.memory_space<vmem>>, vector<896x1xi32>
      tpu.vector_store %arg8[%swap3A_41, %swap3A_42], %add3A_25 {strides = array<i32>} : memref<896x1xi32, #tpu.memory_space<vmem>>, vector<896x1xi32>,
    } else {
    }
    %gt3A = arith.constant 0 : i32
    %gt3A_30 = arith.cmpi sgt, %arg1, %gt3A : i32
    %convert_element_type3A_31 = arith.extui %gt3A_30 : i1 to i32
    %cond3A_32 = arith.constant 0 : i32
    %cond3A_33 = arith.cmpi ne, %convert_element_type3A_31, %cond3A_32 : i32
    scf.if %cond3A_33 {
      %get3A_39 = arith.constant 0 : index
      %get3A_40 = arith.constant 0 : index
      %get3A_41 = vector.load %arg7[%get3A_39, %get3A_40] : memref<896x1xf32, #tpu.memory_space<vmem>>, vector<896x1xf32>
      %lt3A = arith.cmpf olt, %broadcast_in_dim3A, %get3A_41 : vector<896x1xf32>
      %get3A_42 = arith.constant 0 : index
      %get3A_43 = arith.constant 0 : index
      %get3A_44 = vector.load %arg7[%get3A_42, %get3A_43] : memref<896x1xf32, #tpu.memory_space<vmem>>, vector<896x1xf32>
      %select_n3A_45 = arith.select %lt3A, %broadcast_in_dim3A, %get3A_44 : vector<896x1xi1>, vector<896x1xf32>
      %swap3A = arith.constant 0 : index
      %swap3A_46 = arith.constant 0 : index
      %swap3A_47 = vector.load %arg7[%swap3A, %swap3A_46] : memref<896x1xf32, #tpu.memory_space<vmem>>, vector<896x1xf32>
      tpu.vector_store %arg7[%swap3A, %swap3A_46], %select_n3A_45 {strides = array<i32>} : memref<896x1xf32, #tpu.memory_space<vmem>>, vector<896x1xf32>,
      %get3A_48 = arith.constant 0 : index
      %get3A_49 = arith.constant 0 : index
      %get3A_50 = vector.load %arg8[%get3A_48, %get3A_49] : memref<896x1xi32, #tpu.memory_space<vmem>>, vector<896x1xi32>
      %select_n3A_51 = arith.select %lt3A, %add3A_25, %get3A_50 : vector<896x1xi1>, vector<896x1xi32>
      %swap3A_52 = arith.constant 0 : index
      %swap3A_53 = arith.constant 0 : index
      %swap3A_54 = vector.load %arg8[%swap3A_52, %swap3A_53] : memref<896x1xi32, #tpu.memory_space<vmem>>, vector<896x1xi32>
      tpu.vector_store %arg8[%swap3A_52, %swap3A_53], %select_n3A_51 {strides = array<i32>} : memref<896x1xi32, #tpu.memory_space<vmem>>, vector<896x1xi32>,
    } else {
    }
    %eq3A_34 = arith.constant 7 : i32
    %eq3A_35 = arith.cmpi eq, %arg1, %eq3A_34 : i32
    %convert_element_type3A_36 = arith.extui %eq3A_35 : i1 to i32
    %cond3A_37 = arith.constant 0 : i32
    %cond3A_38 = arith.cmpi ne, %convert_element_type3A_36, %cond3A_37 : i32
    scf.if %cond3A_38 {
      %get3A_39 = arith.constant 0 : index
      %get3A_40 = arith.constant 0 : index
      %get3A_41 = vector.load %arg8[%get3A_39, %get3A_40] : memref<896x1xi32, #tpu.memory_space<vmem>>, vector<896x1xi32>
      %swap3A = arith.constant 0 : index
      %swap3A_42 = arith.constant 0 : index
      %swap3A_43 = vector.load %arg6[%swap3A, %swap3A_42] : memref<896x1xi32, #tpu.memory_space<vmem>>, vector<896x1xi32>
      tpu.vector_store %arg6[%swap3A, %swap3A_42], %get3A_41 {strides = array<i32>} : memref<896x1xi32, #tpu.memory_space<vmem>>, vector<896x1xi32>,
    } else {
    }
    return
  }
  func.func @transform_0(%arg0: i32, %arg1: i32) -> (i32, i32) {
    %c0_i32 = arith.constant 0 : i32
    %c0_i32_0 = arith.constant 0 : i32
    return %arg0, %c0_i32 : i32, i32
  }
  func.func @transform_1(%arg0: i32, %arg1: i32) -> (i32, i32) {
    %c0_i32 = arith.constant 0 : i32
    %c0_i32_0 = arith.constant 0 : i32
    return %arg0, %c0_i32 : i32, i32
  }
  func.func @transform_2(%arg0: i32, %arg1: i32) -> (i32, i32) {
    %c0_i32 = arith.constant 0 : i32
    %c0_i32_0 = arith.constant 0 : i32
    return %c0_i32, %arg1 : i32, i32
  }
  func.func @transform_3(%arg0: i32, %arg1: i32) -> (i32, i32) {
    %c0_i32 = arith.constant 0 : i32
    %c0_i32_0 = arith.constant 0 : i32
    return %c0_i32, %arg1 : i32, i32
  }
  func.func @transform_4(%arg0: i32, %arg1: i32) -> (i32, i32) {
    %c0_i32 = arith.constant 0 : i32
    %c0_i32_0 = arith.constant 0 : i32
    return %arg0, %c0_i32 : i32, i32
  }
}

module attributes {stable_mosaic.version = 14 : i64} {
  func.func @_deconv_body(%arg0: i32, %arg1: memref<1x58x58x96xf32, #tpu.memory_space<vmem>>, %arg2: memref<2x2x96x384xf32, #tpu.memory_space<vmem>>, %arg3: memref<1x384xf32, #tpu.memory_space<vmem>>, %arg4: memref<1x57x57x384xf32, #tpu.memory_space<vmem>>) attributes {dimension_semantics = [#tpu.dimension_semantics<arbitrary>], iteration_bounds = array<i64: 4>, scalar_prefetch = 0 : i64, scratch_operands = 0 : i64, tpu.core_type = #tpu.core_type<tc>, window_params = [{transform_indices = @transform_0, window_bounds = array<i64: 1, 58, 58, 96>}, {pipeline_mode = #tpu.pipeline_mode<synchronous>, transform_indices = @transform_1, window_bounds = array<i64: 2, 2, 96, 384>}, {pipeline_mode = #tpu.pipeline_mode<synchronous>, transform_indices = @transform_2, window_bounds = array<i64: 1, 384>}, {transform_indices = @transform_3, window_bounds = array<i64: 1, 57, 57, 384>}]} {
    %get3A = arith.constant 0 : index
    %get3A_0 = arith.constant 0 : index
    %get3A_1 = vector.load %arg3[%get3A, %get3A_0] : memref<1x384xf32, #tpu.memory_space<vmem>>, vector<1x384xf32>
    %scan3A = arith.constant 0 : i32
    %scan3A_2 = arith.constant 57 : i32
    %scan3A_3 = arith.addi %scan3A, %scan3A_2 : i32
    %scan3A_4 = arith.constant 1 : i32
    scf.for %scan3A_6 = %scan3A to %scan3A_3 step %scan3A_4  : i32 {
      %broadcast_in_dim3A = arith.constant 0.000000e+00 : f32
      %broadcast_in_dim3A_7 = vector.broadcast %broadcast_in_dim3A : f32 to vector<57x384xf32>
      %add3A = vector.broadcast %get3A_1 : vector<1x384xf32> to vector<57x384xf32>
      %add3A_8 = arith.addf %broadcast_in_dim3A_7, %add3A : vector<57x384xf32>
      %add3A_9 = arith.constant 0 : i32
      %add3A_10 = arith.addi %scan3A_6, %add3A_9 : i32
      %get3A_11 = arith.constant 0 : index
      %get3A_12 = arith.index_cast %add3A_10 : i32 to index
      %get3A_13 = arith.constant 0 : index
      %get3A_14 = arith.constant 0 : index
      %get3A_15 = vector.load %arg1[%get3A_11, %get3A_12, %get3A_13, %get3A_14] : memref<1x58x58x96xf32, #tpu.memory_space<vmem>>, vector<1x1x57x96xf32>
      %get3A_16 = vector.shape_cast %get3A_15 : vector<1x1x57x96xf32> to vector<57x96xf32>
      %get3A_17 = arith.constant 0 : index
      %get3A_18 = arith.constant 0 : index
      %get3A_19 = arith.constant 0 : index
      %get3A_20 = arith.constant 0 : index
      %get3A_21 = vector.load %arg2[%get3A_17, %get3A_18, %get3A_19, %get3A_20] : memref<2x2x96x384xf32, #tpu.memory_space<vmem>>, vector<1x1x96x384xf32>
      %get3A_22 = vector.shape_cast %get3A_21 : vector<1x1x96x384xf32> to vector<96x384xf32>
      %dot_general3A = arith.constant dense<0.000000e+00> : vector<57x384xf32>
      %dot_general3A_23 = tpu.matmul %get3A_16, %get3A_22, %dot_general3A {dimension_numbers = #tpu.dot_dimension_numbers<[1], [0], [0], [1], [0, 0, 1, 1], [], []>, transpose_lhs_hint = false} : vector<57x96xf32>, vector<96x384xf32>, vector<57x384xf32> -> vector<57x384xf32>
      %add3A_24 = arith.addf %add3A_8, %dot_general3A_23 : vector<57x384xf32>
      %add3A_25 = arith.constant 0 : i32
      %add3A_26 = arith.addi %scan3A_6, %add3A_25 : i32
      %get3A_27 = arith.constant 0 : index
      %get3A_28 = arith.index_cast %add3A_26 : i32 to index
      %get3A_29 = arith.constant 1 : index
      %get3A_30 = arith.constant 0 : index
      %get3A_31 = vector.load %arg1[%get3A_27, %get3A_28, %get3A_29, %get3A_30] : memref<1x58x58x96xf32, #tpu.memory_space<vmem>>, vector<1x1x57x96xf32>
      %get3A_32 = vector.shape_cast %get3A_31 : vector<1x1x57x96xf32> to vector<57x96xf32>
      %get3A_33 = arith.constant 0 : index
      %get3A_34 = arith.constant 1 : index
      %get3A_35 = arith.constant 0 : index
      %get3A_36 = arith.constant 0 : index
      %get3A_37 = vector.load %arg2[%get3A_33, %get3A_34, %get3A_35, %get3A_36] : memref<2x2x96x384xf32, #tpu.memory_space<vmem>>, vector<1x1x96x384xf32>
      %get3A_38 = vector.shape_cast %get3A_37 : vector<1x1x96x384xf32> to vector<96x384xf32>
      %dot_general3A_39 = arith.constant dense<0.000000e+00> : vector<57x384xf32>
      %dot_general3A_40 = tpu.matmul %get3A_32, %get3A_38, %dot_general3A_39 {dimension_numbers = #tpu.dot_dimension_numbers<[1], [0], [0], [1], [0, 0, 1, 1], [], []>, transpose_lhs_hint = false} : vector<57x96xf32>, vector<96x384xf32>, vector<57x384xf32> -> vector<57x384xf32>
      %add3A_41 = arith.addf %add3A_24, %dot_general3A_40 : vector<57x384xf32>
      %add3A_42 = arith.constant 1 : i32
      %add3A_43 = arith.addi %scan3A_6, %add3A_42 : i32
      %get3A_44 = arith.constant 0 : index
      %get3A_45 = arith.index_cast %add3A_43 : i32 to index
      %get3A_46 = arith.constant 0 : index
      %get3A_47 = arith.constant 0 : index
      %get3A_48 = vector.load %arg1[%get3A_44, %get3A_45, %get3A_46, %get3A_47] : memref<1x58x58x96xf32, #tpu.memory_space<vmem>>, vector<1x1x57x96xf32>
      %get3A_49 = vector.shape_cast %get3A_48 : vector<1x1x57x96xf32> to vector<57x96xf32>
      %get3A_50 = arith.constant 1 : index
      %get3A_51 = arith.constant 0 : index
      %get3A_52 = arith.constant 0 : index
      %get3A_53 = arith.constant 0 : index
      %get3A_54 = vector.load %arg2[%get3A_50, %get3A_51, %get3A_52, %get3A_53] : memref<2x2x96x384xf32, #tpu.memory_space<vmem>>, vector<1x1x96x384xf32>
      %get3A_55 = vector.shape_cast %get3A_54 : vector<1x1x96x384xf32> to vector<96x384xf32>
      %dot_general3A_56 = arith.constant dense<0.000000e+00> : vector<57x384xf32>
      %dot_general3A_57 = tpu.matmul %get3A_49, %get3A_55, %dot_general3A_56 {dimension_numbers = #tpu.dot_dimension_numbers<[1], [0], [0], [1], [0, 0, 1, 1], [], []>, transpose_lhs_hint = false} : vector<57x96xf32>, vector<96x384xf32>, vector<57x384xf32> -> vector<57x384xf32>
      %add3A_58 = arith.addf %add3A_41, %dot_general3A_57 : vector<57x384xf32>
      %add3A_59 = arith.constant 1 : i32
      %add3A_60 = arith.addi %scan3A_6, %add3A_59 : i32
      %get3A_61 = arith.constant 0 : index
      %get3A_62 = arith.index_cast %add3A_60 : i32 to index
      %get3A_63 = arith.constant 1 : index
      %get3A_64 = arith.constant 0 : index
      %get3A_65 = vector.load %arg1[%get3A_61, %get3A_62, %get3A_63, %get3A_64] : memref<1x58x58x96xf32, #tpu.memory_space<vmem>>, vector<1x1x57x96xf32>
      %get3A_66 = vector.shape_cast %get3A_65 : vector<1x1x57x96xf32> to vector<57x96xf32>
      %get3A_67 = arith.constant 1 : index
      %get3A_68 = arith.constant 1 : index
      %get3A_69 = arith.constant 0 : index
      %get3A_70 = arith.constant 0 : index
      %get3A_71 = vector.load %arg2[%get3A_67, %get3A_68, %get3A_69, %get3A_70] : memref<2x2x96x384xf32, #tpu.memory_space<vmem>>, vector<1x1x96x384xf32>
      %get3A_72 = vector.shape_cast %get3A_71 : vector<1x1x96x384xf32> to vector<96x384xf32>
      %dot_general3A_73 = arith.constant dense<0.000000e+00> : vector<57x384xf32>
      %dot_general3A_74 = tpu.matmul %get3A_66, %get3A_72, %dot_general3A_73 {dimension_numbers = #tpu.dot_dimension_numbers<[1], [0], [0], [1], [0, 0, 1, 1], [], []>, transpose_lhs_hint = false} : vector<57x96xf32>, vector<96x384xf32>, vector<57x384xf32> -> vector<57x384xf32>
      %add3A_75 = arith.addf %add3A_58, %dot_general3A_74 : vector<57x384xf32>
      %max3A = arith.constant 0.000000e+00 : f32
      %max3A_76 = vector.broadcast %max3A : f32 to vector<57x384xf32>
      %max3A_77 = arith.maximumf %add3A_75, %max3A_76 : vector<57x384xf32>
      %swap3A = arith.constant 0 : index
      %swap3A_78 = arith.index_cast %scan3A_6 : i32 to index
      %swap3A_79 = arith.constant 0 : index
      %swap3A_80 = arith.constant 0 : index
      %swap3A_81 = vector.load %arg4[%swap3A, %swap3A_78, %swap3A_79, %swap3A_80] : memref<1x57x57x384xf32, #tpu.memory_space<vmem>>, vector<1x1x57x384xf32>
      %swap3A_82 = vector.shape_cast %swap3A_81 : vector<1x1x57x384xf32> to vector<57x384xf32>
      %swap3A_83 = vector.shape_cast %max3A_77 : vector<57x384xf32> to vector<1x1x57x384xf32>
      tpu.vector_store %arg4[%swap3A, %swap3A_78, %swap3A_79, %swap3A_80], %swap3A_83 {strides = array<i32>} : memref<1x57x57x384xf32, #tpu.memory_space<vmem>>, vector<1x1x57x384xf32>,
    }
    %scan3A_5 = arith.constant 57 : i32
    return
  }
  func.func @transform_0(%arg0: i32) -> (i32, i32, i32, i32) {
    %c0_i32 = arith.constant 0 : i32
    %c0_i32_0 = arith.constant 0 : i32
    %c0_i32_1 = arith.constant 0 : i32
    %c0_i32_2 = arith.constant 0 : i32
    return %arg0, %c0_i32, %c0_i32_0, %c0_i32_1 : i32, i32, i32, i32
  }
  func.func @transform_1(%arg0: i32) -> (i32, i32, i32, i32) {
    %c0_i32 = arith.constant 0 : i32
    %c0_i32_0 = arith.constant 0 : i32
    %c0_i32_1 = arith.constant 0 : i32
    %c0_i32_2 = arith.constant 0 : i32
    %c0_i32_3 = arith.constant 0 : i32
    return %c0_i32, %c0_i32_0, %c0_i32_1, %c0_i32_2 : i32, i32, i32, i32
  }
  func.func @transform_2(%arg0: i32) -> (i32, i32) {
    %c0_i32 = arith.constant 0 : i32
    %c0_i32_0 = arith.constant 0 : i32
    %c0_i32_1 = arith.constant 0 : i32
    return %c0_i32, %c0_i32_0 : i32, i32
  }
  func.func @transform_3(%arg0: i32) -> (i32, i32, i32, i32) {
    %c0_i32 = arith.constant 0 : i32
    %c0_i32_0 = arith.constant 0 : i32
    %c0_i32_1 = arith.constant 0 : i32
    %c0_i32_2 = arith.constant 0 : i32
    return %arg0, %c0_i32, %c0_i32_0, %c0_i32_1 : i32, i32, i32, i32
  }
}

module attributes {stable_mosaic.version = 14 : i64} {
  func.func @_deconv_body(%arg0: i32, %arg1: memref<1x114x114x96xf32, #tpu.memory_space<vmem>>, %arg2: memref<2x2x96x12xf32, #tpu.memory_space<vmem>>, %arg3: memref<1x12xf32, #tpu.memory_space<vmem>>, %arg4: memref<1x113x113x12xf32, #tpu.memory_space<vmem>>) attributes {dimension_semantics = [#tpu.dimension_semantics<arbitrary>], iteration_bounds = array<i64: 4>, scalar_prefetch = 0 : i64, scratch_operands = 0 : i64, tpu.core_type = #tpu.core_type<tc>, window_params = [{transform_indices = @transform_0, window_bounds = array<i64: 1, 114, 114, 96>}, {pipeline_mode = #tpu.pipeline_mode<synchronous>, transform_indices = @transform_1, window_bounds = array<i64: 2, 2, 96, 12>}, {pipeline_mode = #tpu.pipeline_mode<synchronous>, transform_indices = @transform_2, window_bounds = array<i64: 1, 12>}, {transform_indices = @transform_3, window_bounds = array<i64: 1, 113, 113, 12>}]} {
    %get3A = arith.constant 0 : index
    %get3A_0 = arith.constant 0 : index
    %get3A_1 = vector.load %arg3[%get3A, %get3A_0] : memref<1x12xf32, #tpu.memory_space<vmem>>, vector<1x12xf32>
    %scan3A = arith.constant 0 : i32
    %scan3A_2 = arith.constant 113 : i32
    %scan3A_3 = arith.addi %scan3A, %scan3A_2 : i32
    %scan3A_4 = arith.constant 1 : i32
    scf.for %scan3A_6 = %scan3A to %scan3A_3 step %scan3A_4  : i32 {
      %broadcast_in_dim3A = arith.constant 0.000000e+00 : f32
      %broadcast_in_dim3A_7 = vector.broadcast %broadcast_in_dim3A : f32 to vector<113x12xf32>
      %add3A = vector.broadcast %get3A_1 : vector<1x12xf32> to vector<113x12xf32>
      %add3A_8 = arith.addf %broadcast_in_dim3A_7, %add3A : vector<113x12xf32>
      %add3A_9 = arith.constant 0 : i32
      %add3A_10 = arith.addi %scan3A_6, %add3A_9 : i32
      %get3A_11 = arith.constant 0 : index
      %get3A_12 = arith.index_cast %add3A_10 : i32 to index
      %get3A_13 = arith.constant 0 : index
      %get3A_14 = arith.constant 0 : index
      %get3A_15 = vector.load %arg1[%get3A_11, %get3A_12, %get3A_13, %get3A_14] : memref<1x114x114x96xf32, #tpu.memory_space<vmem>>, vector<1x1x113x96xf32>
      %get3A_16 = vector.shape_cast %get3A_15 : vector<1x1x113x96xf32> to vector<113x96xf32>
      %get3A_17 = arith.constant 0 : index
      %get3A_18 = arith.constant 0 : index
      %get3A_19 = arith.constant 0 : index
      %get3A_20 = arith.constant 0 : index
      %get3A_21 = vector.load %arg2[%get3A_17, %get3A_18, %get3A_19, %get3A_20] : memref<2x2x96x12xf32, #tpu.memory_space<vmem>>, vector<1x1x96x12xf32>
      %get3A_22 = vector.shape_cast %get3A_21 : vector<1x1x96x12xf32> to vector<96x12xf32>
      %dot_general3A = arith.constant dense<0.000000e+00> : vector<113x12xf32>
      %dot_general3A_23 = tpu.matmul %get3A_16, %get3A_22, %dot_general3A {dimension_numbers = #tpu.dot_dimension_numbers<[1], [0], [0], [1], [0, 0, 1, 1], [], []>, transpose_lhs_hint = false} : vector<113x96xf32>, vector<96x12xf32>, vector<113x12xf32> -> vector<113x12xf32>
      %add3A_24 = arith.addf %add3A_8, %dot_general3A_23 : vector<113x12xf32>
      %add3A_25 = arith.constant 0 : i32
      %add3A_26 = arith.addi %scan3A_6, %add3A_25 : i32
      %get3A_27 = arith.constant 0 : index
      %get3A_28 = arith.index_cast %add3A_26 : i32 to index
      %get3A_29 = arith.constant 1 : index
      %get3A_30 = arith.constant 0 : index
      %get3A_31 = vector.load %arg1[%get3A_27, %get3A_28, %get3A_29, %get3A_30] : memref<1x114x114x96xf32, #tpu.memory_space<vmem>>, vector<1x1x113x96xf32>
      %get3A_32 = vector.shape_cast %get3A_31 : vector<1x1x113x96xf32> to vector<113x96xf32>
      %get3A_33 = arith.constant 0 : index
      %get3A_34 = arith.constant 1 : index
      %get3A_35 = arith.constant 0 : index
      %get3A_36 = arith.constant 0 : index
      %get3A_37 = vector.load %arg2[%get3A_33, %get3A_34, %get3A_35, %get3A_36] : memref<2x2x96x12xf32, #tpu.memory_space<vmem>>, vector<1x1x96x12xf32>
      %get3A_38 = vector.shape_cast %get3A_37 : vector<1x1x96x12xf32> to vector<96x12xf32>
      %dot_general3A_39 = arith.constant dense<0.000000e+00> : vector<113x12xf32>
      %dot_general3A_40 = tpu.matmul %get3A_32, %get3A_38, %dot_general3A_39 {dimension_numbers = #tpu.dot_dimension_numbers<[1], [0], [0], [1], [0, 0, 1, 1], [], []>, transpose_lhs_hint = false} : vector<113x96xf32>, vector<96x12xf32>, vector<113x12xf32> -> vector<113x12xf32>
      %add3A_41 = arith.addf %add3A_24, %dot_general3A_40 : vector<113x12xf32>
      %add3A_42 = arith.constant 1 : i32
      %add3A_43 = arith.addi %scan3A_6, %add3A_42 : i32
      %get3A_44 = arith.constant 0 : index
      %get3A_45 = arith.index_cast %add3A_43 : i32 to index
      %get3A_46 = arith.constant 0 : index
      %get3A_47 = arith.constant 0 : index
      %get3A_48 = vector.load %arg1[%get3A_44, %get3A_45, %get3A_46, %get3A_47] : memref<1x114x114x96xf32, #tpu.memory_space<vmem>>, vector<1x1x113x96xf32>
      %get3A_49 = vector.shape_cast %get3A_48 : vector<1x1x113x96xf32> to vector<113x96xf32>
      %get3A_50 = arith.constant 1 : index
      %get3A_51 = arith.constant 0 : index
      %get3A_52 = arith.constant 0 : index
      %get3A_53 = arith.constant 0 : index
      %get3A_54 = vector.load %arg2[%get3A_50, %get3A_51, %get3A_52, %get3A_53] : memref<2x2x96x12xf32, #tpu.memory_space<vmem>>, vector<1x1x96x12xf32>
      %get3A_55 = vector.shape_cast %get3A_54 : vector<1x1x96x12xf32> to vector<96x12xf32>
      %dot_general3A_56 = arith.constant dense<0.000000e+00> : vector<113x12xf32>
      %dot_general3A_57 = tpu.matmul %get3A_49, %get3A_55, %dot_general3A_56 {dimension_numbers = #tpu.dot_dimension_numbers<[1], [0], [0], [1], [0, 0, 1, 1], [], []>, transpose_lhs_hint = false} : vector<113x96xf32>, vector<96x12xf32>, vector<113x12xf32> -> vector<113x12xf32>
      %add3A_58 = arith.addf %add3A_41, %dot_general3A_57 : vector<113x12xf32>
      %add3A_59 = arith.constant 1 : i32
      %add3A_60 = arith.addi %scan3A_6, %add3A_59 : i32
      %get3A_61 = arith.constant 0 : index
      %get3A_62 = arith.index_cast %add3A_60 : i32 to index
      %get3A_63 = arith.constant 1 : index
      %get3A_64 = arith.constant 0 : index
      %get3A_65 = vector.load %arg1[%get3A_61, %get3A_62, %get3A_63, %get3A_64] : memref<1x114x114x96xf32, #tpu.memory_space<vmem>>, vector<1x1x113x96xf32>
      %get3A_66 = vector.shape_cast %get3A_65 : vector<1x1x113x96xf32> to vector<113x96xf32>
      %get3A_67 = arith.constant 1 : index
      %get3A_68 = arith.constant 1 : index
      %get3A_69 = arith.constant 0 : index
      %get3A_70 = arith.constant 0 : index
      %get3A_71 = vector.load %arg2[%get3A_67, %get3A_68, %get3A_69, %get3A_70] : memref<2x2x96x12xf32, #tpu.memory_space<vmem>>, vector<1x1x96x12xf32>
      %get3A_72 = vector.shape_cast %get3A_71 : vector<1x1x96x12xf32> to vector<96x12xf32>
      %dot_general3A_73 = arith.constant dense<0.000000e+00> : vector<113x12xf32>
      %dot_general3A_74 = tpu.matmul %get3A_66, %get3A_72, %dot_general3A_73 {dimension_numbers = #tpu.dot_dimension_numbers<[1], [0], [0], [1], [0, 0, 1, 1], [], []>, transpose_lhs_hint = false} : vector<113x96xf32>, vector<96x12xf32>, vector<113x12xf32> -> vector<113x12xf32>
      %add3A_75 = arith.addf %add3A_58, %dot_general3A_74 : vector<113x12xf32>
      %swap3A = arith.constant 0 : index
      %swap3A_76 = arith.index_cast %scan3A_6 : i32 to index
      %swap3A_77 = arith.constant 0 : index
      %swap3A_78 = arith.constant 0 : index
      %swap3A_79 = vector.load %arg4[%swap3A, %swap3A_76, %swap3A_77, %swap3A_78] : memref<1x113x113x12xf32, #tpu.memory_space<vmem>>, vector<1x1x113x12xf32>
      %swap3A_80 = vector.shape_cast %swap3A_79 : vector<1x1x113x12xf32> to vector<113x12xf32>
      %swap3A_81 = vector.shape_cast %add3A_75 : vector<113x12xf32> to vector<1x1x113x12xf32>
      tpu.vector_store %arg4[%swap3A, %swap3A_76, %swap3A_77, %swap3A_78], %swap3A_81 {strides = array<i32>} : memref<1x113x113x12xf32, #tpu.memory_space<vmem>>, vector<1x1x113x12xf32>,
    }
    %scan3A_5 = arith.constant 113 : i32
    return
  }
  func.func @transform_0(%arg0: i32) -> (i32, i32, i32, i32) {
    %c0_i32 = arith.constant 0 : i32
    %c0_i32_0 = arith.constant 0 : i32
    %c0_i32_1 = arith.constant 0 : i32
    %c0_i32_2 = arith.constant 0 : i32
    return %arg0, %c0_i32, %c0_i32_0, %c0_i32_1 : i32, i32, i32, i32
  }
  func.func @transform_1(%arg0: i32) -> (i32, i32, i32, i32) {
    %c0_i32 = arith.constant 0 : i32
    %c0_i32_0 = arith.constant 0 : i32
    %c0_i32_1 = arith.constant 0 : i32
    %c0_i32_2 = arith.constant 0 : i32
    %c0_i32_3 = arith.constant 0 : i32
    return %c0_i32, %c0_i32_0, %c0_i32_1, %c0_i32_2 : i32, i32, i32, i32
  }
  func.func @transform_2(%arg0: i32) -> (i32, i32) {
    %c0_i32 = arith.constant 0 : i32
    %c0_i32_0 = arith.constant 0 : i32
    %c0_i32_1 = arith.constant 0 : i32
    return %c0_i32, %c0_i32_0 : i32, i32
  }
  func.func @transform_3(%arg0: i32) -> (i32, i32, i32, i32) {
    %c0_i32 = arith.constant 0 : i32
    %c0_i32_0 = arith.constant 0 : i32
    %c0_i32_1 = arith.constant 0 : i32
    %c0_i32_2 = arith.constant 0 : i32
    return %arg0, %c0_i32, %c0_i32_0, %c0_i32_1 : i32, i32, i32, i32
  }
}

</mosaic_0001>

<sc_bundles>
// kernel: kernel.5.cloned.1.call-start
scs
__scs_entry_jumppad:
0x0: {  	(pc) =	sbr.rel $0x88, $3  }
0x1: {  	(tag) =	ssettag $0x0;
	lr =	simm.s32 $0x1  }
0x2: {  	[smem:$0x3F97] =	sst lr;
	_ =	strace $0xD0000000  }
0x3: {  	_ = 	snop  }
0x4: {  	_ = 	snop  }
0x5: {  	_ = 	snop  }
0x6: {  	_ = 	snop  }
0x7: {  	_ = 	snop  }
__scs_overlays_trampoline_lowered:
0x8: {  	[smem:$0x3FA6] =	sst s0  }
0x9: {  	[smem:$0x3FA7] =	sst s1  }
0xa: {  	[smem:$0x3FA8] =	sst s2  }
0xb: {  	[smem:$0x3FA9] =	sst s3  }
0xc: {  	[smem:$0x3FAA] =	sst s4  }
0xd: {  	[smem:$0x3FAB] =	sst s5  }
0xe: {  	[smem:$0x3FAC] =	sst s6  }
0xf: {  	[smem:$0x3FAD] =	sst s7  }
0x10: {  	[smem:$0x3FAE] =	sst s8  }
0x11: {  	[smem:$0x3FAF] =	sst s9;
	s0 =	simm.s32 @!p0 $0x0  }
0x12: {  	s1 =	sld [smem:$0x3F95];
	s0 =	simm.s32 @p0 $0x1  }
0x13: {  	[smem:$0x3FB0] =	sst s0;
	s0 =	simm.s32 @!p1 $0x0  }
0x14: {  	s2 =	sld [smem:$0x3F94];
	s0 =	simm.s32 @p1 $0x1  }
0x15: {  	[smem:$0x3FB1] =	sst s0;
	s0 =	simm.s32 @!p2 $0x0  }
0x16: {  	s3 =	sld [smem:$0x3FDB];
	s0 =	simm.s32 @p2 $0x1  }
0x17: {  	s4 =	simm.s32 $0x1BF5;
	[smem:$0x3FB3] =	sst s0  }
0x18: {  	s0 =	sld [smem:$0x3F96];
	_ =	swait.ge [sflag:s4], $0x0  }
0x19: {  	s7 =	sld [smem:$0x3F97]  }
0x1a: {  	s8 =	sadd.s32 $0xFFFFE003, lr  }
0x1b: {  	s9 =	sadd.s32 $0xFFFFFEF7, lr;
	s5 =	simm.s32 $0xFFFFFFFF;
	p2 =	slt.u32 s8, $0xFFFFF086  }
0x1c: {  	p1 =	slt.u32 s9, $0xF7A;
	s5 =	simm.s32 @!p2 $0x0  }
0x1d: {  	s5 =	simm.s32 @p1 $0x1;
	p0 =	seq.s32 s7, s2  }
0x1e: {  	s7 =	smul.u32 @!p0 $0xF7A, s2;
	p2 =	seq.s32 @!p0 s5, $0x0  }
0x1f: {  	s9 =	smul.u32 $0xF7A, s1;
	s8 =	simm.s32 @!p0 $0x1BF5;
	p2 =	por !p2, p0  }
0x20: {  	[sflag:s8] =	ssyncset.s32 @!p0 $0xFFFFF086;
	s6 =	sadd.s32 @!p0 s3, s7;
	s7 =	simm.s32 @!p0 $0x108  }
0x21: {  	s3 =	sadd.s32 s3, s9;
	s6 =	sadd.s32 @!p0 $0x88, s6;
	s7 =	simm.s32 @p2 $0x1082  }
0x22: {  	[simem:s7], [sflag:s8] =	dma.local @!p0 [hbm:s6], $0xF7A  }
0x23: {  	s9 =	sor.u32 $0xD0000000, s2;
	s6 =	simm.s32 $0x108;
	_ =	swait.ge @!p0 [sflag:s8], $0x0  }
0x24: {  	s3 =	sadd.s32 $0x88, s3;
	s6 =	simm.s32 @!p1 $0x1082;
	[sflag:s4] =	ssyncset.s32 $0xFFFFF086  }
0x25: {  	[simem:s6], [sflag:s4] =	dma.local [hbm:s3], $0xF7A  }
0x26: {  	[smem:$0x3F97] =	sst s1;
	(tag) =	ssettag s2;
	_ =	strace s9  }
0x27: {  	s1 =	sld [smem:$0x3FA7]  }
0x28: {  	s2 =	sld [smem:$0x3FA8]  }
0x29: {  	s4 =	sld [smem:$0x3FAA]  }
0x2a: {  	p0 =	seq.s32 s5, $0x0;
	s5 =	sld [smem:$0x3FAB]  }
0x2b: {  	s6 =	sld [smem:$0x3FAC]  }
0x2c: {  	s7 =	sld [smem:$0x3FAD]  }
0x2d: {  	s3 =	simm.s32 $0x108;
	s8 =	sld [smem:$0x3FAE]  }
0x2e: {  	s3 =	simm.s32 @!p0 $0x1082;
	s9 =	sld [smem:$0x3FAF]  }
0x2f: {  	lr =	sadd.s32 s0, s3;
	s0 =	sld [smem:$0x3FA6]  }
0x30: {  	s3 =	sld [smem:$0x3FA9]  }
0x31: {  	[smem:$0x3FB2] =	sst s10  }
0x32: {  	s10 =	sld [smem:$0x3FB0];
	_ =	sdelay $0x3  }
0x33: {  	p0 =	seq.s32 s10, $0x1;
	s10 =	sld [smem:$0x3FB2];
	_ =	sdelay $0x3  }
0x34: {  	[smem:$0x3FB2] =	sst s10  }
0x35: {  	s10 =	sld [smem:$0x3FB1];
	_ =	sdelay $0x3  }
0x36: {  	p1 =	seq.s32 s10, $0x1;
	s10 =	sld [smem:$0x3FB2];
	_ =	sdelay $0x3  }
0x37: {  	[smem:$0x3FB2] =	sst s10  }
0x38: {  	s10 =	sld [smem:$0x3FB3]  }
0x39: {  	_ = 	snop;
	(pc) =	sbr.ind lr, $3  }
0x3a: {  	_ = 	snop  }
0x3b: {  	_ = 	snop  }
0x3c: {  	p2 =	seq.s32 s10, $0x1;
	s10 =	sld [smem:$0x3FB2]  }
0x3d: {  	_ =	shalt  }
0x3e: {  	_ =	shalt  }
0x3f: {  	_ =	shalt  }
0x40: {  	_ =	shalt  }
0x41: {  	_ =	shalt  }
0x42: {  	_ =	shalt  }
0x43: {  	_ =	shalt  }
0x44: {  	_ =	shalt  }
0x45: {  	_ =	shalt  }
0x46: {  	_ =	shalt  }
0x47: {  	_ =	shalt  }
0x48: {  	_ =	shalt  }
0x49: {  	_ =	shalt  }
0x4a: {  	_ =	shalt  }
0x4b: {  	_ =	shalt  }
0x4c: {  	_ =	shalt  }
0x4d: {  	_ =	shalt  }
0x4e: {  	_ =	shalt  }
0x4f: {  	_ =	shalt  }
0x50: {  	_ =	shalt  }
0x51: {  	_ =	shalt  }
0x52: {  	_ =	shalt  }
0x53: {  	_ =	shalt  }
0x54: {  	_ =	shalt  }
0x55: {  	_ =	shalt  }
0x56: {  	_ =	shalt  }
0x57: {  	_ =	shalt  }
0x58: {  	_ =	shalt  }
0x59: {  	_ =	shalt  }
0x5a: {  	_ =	shalt  }
0x5b: {  	_ =	shalt  }
0x5c: {  	_ =	shalt  }
0x5d: {  	_ =	shalt  }
0x5e: {  	_ =	shalt  }
0x5f: {  	_ =	shalt  }
0x60: {  	_ =	shalt  }
0x61: {  	_ =	shalt  }
0x62: {  	_ =	shalt  }
0x63: {  	_ =	shalt  }
0x64: {  	_ =	shalt  }
0x65: {  	_ =	shalt  }
0x66: {  	_ =	shalt  }
0x67: {  	_ =	shalt  }
0x68: {  	_ =	shalt  }
0x69: {  	_ =	shalt  }
0x6a: {  	_ =	shalt  }
0x6b: {  	_ =	shalt  }
0x6c: {  	_ =	shalt  }
0x6d: {  	_ =	shalt  }
0x6e: {  	_ =	shalt  }
0x6f: {  	_ =	shalt  }
0x70: {  	_ =	shalt  }
0x71: {  	_ =	shalt  }
0x72: {  	_ =	shalt  }
0x73: {  	_ =	shalt  }
0x74: {  	_ =	shalt  }
0x75: {  	_ =	shalt  }
0x76: {  	_ =	shalt  }
0x77: {  	_ =	shalt  }
0x78: {  	_ =	shalt  }
0x79: {  	_ =	shalt  }
0x7a: {  	_ =	shalt  }
0x7b: {  	_ =	shalt  }
0x7c: {  	_ =	shalt  }
0x7d: {  	_ =	shalt  }
0x7e: {  	_ =	shalt  }
0x7f: {  	_ =	shalt  }
0x80: {  	_ =	shalt  }
0x81: {  	_ =	shalt  }
0x82: {  	_ =	shalt  }
0x83: {  	_ =	shalt  }
0x84: {  	_ =	shalt  }
0x85: {  	_ =	shalt  }
0x86: {  	_ =	shalt  }
0x87: {  	_ =	shalt  }
.Lfunc_end0:
.L_simem_size_0:
called_computation_lowered:
.L_overlay_start_0:
0x88: {  	s2 =	sld [smem:$0x3FD9]  }
0x89: {  	s3 =	sld [smem:$0x3FFE];
	_ =	sdelay $0x1  }
0x8a: {  	s1 =	srdreg.scid  }
0x8b: {  	s0 =	sand.u32 $0x1, s1  }
0x8c: {  	s14 =	sshll.u32 s0, $0xA;
	s2 =	sadd.s32 s3, s2  }
0x8d: {  	s2 =	sadd.s32 s2, s14  }
0x8e: {  	[smem:$0x3FBE] =	sst s2  }
0x8f: {  	_ = 	snop  }
0x90: {  	s2 =	sld [smem:$0x3FD0];
	_ =	sdelay $0x2  }
0x91: {  	s15 =	simm.s32 $0xA;
	s4 =	simm.s32 $0x10  }
0x92: {  	[smem:s4], [sflag:s15] =	dma.local [hbm:s2], $0x1  }
0x93: {  	_ =	swait.eq [sflag:s15], $0x1  }
0x94: {  	[sflag:s15] =	ssyncset.done $0x0  }
0x95: {  	s16 =	sld [smem:$0x10];
	[sflag:s15] =	ssyncadd.s32 $0xFFFFFFFF  }
0x96: {  	s17 =	sld [smem:$0x11];
	(tm) =	ssettm $0x1  }
0x97: {  	s18 =	sld [smem:$0x3FFB];
	_ =	sdelay $0x3  }
0x98: {  	_ =	strace s18  }
0x99: {  	s4 =	sld [smem:$0x3FFC];
	_ =	sdelay $0x3  }
0x9a: {  	_ =	strace s4  }
0x9b: {  	s4 =	sld [smem:$0x3FFD];
	_ =	sdelay $0x3  }
0x9c: {  	_ =	strace s4  }
0x9d: {  	_ =	strace $0x8FFFFFFF  }
0x9e: {  	s19 =	sld [smem:$0x3FDB];
	_ =	sdelay $0x1  }
0x9f: {  	s5 =	simm.s32 $_scs_section_size  }
0xa0: {  	s6 =	simm.s32 $_size__tile_overlayer_lowered;
	s7 =	simm.s32 $_tile_overlayer_lowered  }
0xa1: {  	s22 =	simm.s32 $0x1BFF;
	s21 =	sshll.u32 s7, $0x1;
	s4 =	sadd.s32 s5, s19  }
0xa2: {  	s8 =	simm.s32 $0x0;
	s20 =	sshll.u32 s6, $0x1;
	s6 =	sadd.s32 s21, s4  }
0xa3: {  	[timem:s8], [sflag:s22] =	dma.local [hbm:s6], s20  }
0xa4: {  	_ =	swait.ge [sflag:s22], s20  }
0xa5: {  	s5 =	ssub.s32 $0x0, s20;
	[sflag:s22] =	ssyncset.done $0x0  }
0xa6: {  	[sflag:s22] =	ssyncadd.s32 s5;
	_ =	sdelay $0x1  }
0xa7: {  	s23 =	simm.s32 $0x1B8B  }
0xa8: {  	_ =	swait.ge [sflag:s23], $0x1  }
0xa9: {  	[sflag:s23] =	ssyncset.done $0x0  }
0xaa: {  	s25 =	simm.s32 $0x1B8E;
	s24 =	sld [smem:$0x3FFE];
	[sflag:s23] =	ssyncadd.s32 $0xFFFFFFFF  }
0xab: {  	s26 =	simm.s32 $execute0_lowered;
	[smem:$0x3FD2] =	sst s25  }
0xac: {  	s6 =	sshll.u32 s26, $0x1;
	_ =	strace $0x80000046;
	[dreg:$0x1] =	wrdreg $0xFFFFFFFF  }
0xad: {  	s28 =	simm.s32 $_size_execute0_lowered;
	s4 =	sadd.s32 s4, s6;
	[dreg:$0x0] =	wrdreg $0x0  }
0xae: {  	s6 =	sshll.u32 s28, $0x1;
	[dreg:$0x2] =	wrdreg s4  }
0xaf: {  	[dreg:$0x3] =	wrdreg s6  }
0xb0: {  	[dreg:$0x4] =	wrdreg $0xC0  }
0xb1: {  	_ =	task [dreg:s8], $0x5FFFF  }
0xb2: {  	[dreg:$0x1] =	wrdreg $0xFFFFFFFF  }
0xb3: {  	[dreg:$0x0] =	wrdreg $0x60  }
0xb4: {  	[dreg:$0x2] =	wrdreg s16  }
0xb5: {  	[dreg:$0x3] =	wrdreg s24  }
0xb6: {  	[dreg:$0x4] =	wrdreg s17  }
0xb7: {  	[dreg:$0x5] =	wrdreg $0x9  }
0xb8: {  	_ =	task.clear_ibuf [dreg:s8], $0x6FFFF;
	_ =	strace $0x90000046  }
0xb9: {  	s29 =	simm.s32 $0x9;
	_ =	strace $0x80000048  }
0xba: {  	_ =	swait.ge [sflag:s29], $0x1  }
0xbb: {  	[sflag:s29] =	ssyncadd.s32 $0xFFFFFFFF  }
0xbc: {  	_ =	strace $0x90000048  }
0xbd: {  	_ =	sfence  }
0xbe: {  	s30 =	sld [smem:$0x0];
	_ =	sdelay $0x2  }
0xbf: {  	s31 =	sshll.u32 s1, $0xD;
	s1 =	sshrl.u32 s1, $0x2  }
0xc0: {  	s3 =	sand.u32 $0x4000, s31;
	s1 =	sadd.s32 s1, s30  }
0xc1: {  	s0 =	sor.u32 s3, s0;
	s1 =	sshll.u32 s1, $0x11  }
0xc2: {  	s0 =	sor.u32 s1, s0  }
0xc3: {  	s0 =	sadd.s32 $0x8F2B, s0  }
0xc4: {  	[sflag:s0] =	ssyncadd.remote.s32 $0x1  }
0xc5: {  	_ =	sfence.sel $0xFFFF  }
0xc6: {  	[dreg:$0x0] =	wrdreg $0xFFFFFFFF;
	(pc) =	sbr.abs _section_cstart, $3  }
0xc7: {  	[dreg:$0x1] =	wrdreg $0xFFFFFFFF  }
0xc8: {  	_ =	task.clear_ibuf [dreg:s8], $0x2FFFF;
	_ =	strace $0x9FFFFFFF  }
0xc9: {  	(tm) =	ssettm $0x7FFFFFFF  }
tec
execute0_lowered:
.L_overlay_start_1:
0x0: {  	(tag) =	ssettag $0x1  }
0x1: {  	s3 =	rddreg [dreg:$0x0]  }
0x2: {  	s1 =	srdreg.scid;
	s0 =	stileid.u32  }
0x3: {  	s5 =	rddreg [dreg:$0x1];
	s15 =	sand.u32 $0x1, s1;
	s30 =	sshll.u32 s0, $0x1  }
0x4: {  	s16 =	rddreg [dreg:$0x2];
	s17 =	sor.u32 s15, s30  }
0x5: {  	s2 =	simm.s32 $0x0;
	s1 =	rddreg [dreg:$0x3];
	s4 =	smul.u32 $0x31, s17  }
0x6: {  	[smem:$0x7FF] =	sst s2  }
0x7: {  	_ =	strace $0x80000047;
	s4 =	sadd.s32 s3, s4;
	s3 =	simm.s32 $0x2  }
0x8: {  	[tilespmem:s2], [sflag:$0x2] =	stream.linear.gather [hbm4b:s4+s2], $0x188, $0x38;
	[tilespmem:$0xC600] =	vst v63  }
0x9: {  	_ =	swait.ge [sflag:s3], $0x188  }
0xa: {  	s6 =	simm.s32 $0x80;
	[sflag:s3] =	ssyncset.done $0x0  }
0xb: {  	s7 =	simm.s32 $0x200;
	s5 =	sadd.s32 $0x2C00, s5;
	[sflag:s3] =	ssyncadd.s32 $0xFFFFFE78  }
0xc: {  	[tilespmem:s7], [sflag:$0x1] =	stream.indirect.gather [hbm4b:s5+s6], $0x80, s2, s6, $0xb8;
	[tilespmem:$0xC600] =	vst v63  }
0xd: {  	s8 =	simm.s32 $0x4200  }
0xe: {  	[tilespmem:s8], [sflag:$0x1] =	stream.indirect.gather [hbm4b:s5+s6], $0x80, s6, s6, $0xb8;
	[tilespmem:$0xC600] =	vst v63  }
0xf: {  	s9 =	simm.s32 $0x100;
	s10 =	simm.s32 $0x8200;
	s11 =	simm.s32 $0x8  }
0x10: {  	[tilespmem:s10], [sflag:$0x1] =	stream.indirect.gather [hbm4b:s5+s6], $0x80, s9, s6, $0xb8;
	[tilespmem:$0xC600] =	vst v63  }
0x11: {  	s12 =	simm.s32 $0x180;
	s13 =	simm.s32 $0xC200;
	s14 =	simm.s32 $0x1  }
0x12: {  	[tilespmem:s13], [sflag:$0x1] =	stream.indirect.gather [hbm4b:s5+s11], $0x80, s12, s11, $0xb8;
	[tilespmem:$0xC600] =	vst v63  }
0x13: {  	_ =	swait.ge [sflag:s14], $0x4000  }
0x14: {  	[sflag:s14] =	ssyncset.done $0x0  }
0x15: {  	[sflag:s14] =	ssyncadd.s32 $0xFFFFC000  }
0x16: {  	_ =	swait.ge [sflag:s14], $0x4000  }
0x17: {  	[sflag:s14] =	ssyncset.done $0x0  }
0x18: {  	s15 =	ssub.s32 $0x2, s15;
	[sflag:s14] =	ssyncadd.s32 $0xFFFFC000  }
0x19: {  	s18 =	sshrl.u32 s15, $0x1;
	_ =	swait.ge [sflag:s14], $0x4000  }
0x1a: {  	s18 =	ssub.s32 s15, s18;
	[sflag:s14] =	ssyncset.done $0x0  }
0x1b: {  	s31 =	smax.u32 s18, $0x1;
	[sflag:s14] =	ssyncadd.s32 $0xFFFFC000  }
0x1c: {  	s17 =	smul.u32 $0x1880, s17;
	p0 =	sne.s32 s31, $0x1;
	_ =	swait.ge [sflag:s14], $0x400  }
.Ltmp0:
0x1d: {  	[sflag:s14] =	ssyncset.done $0x0;
	(pc) =	sbr.rel @!p0 .LBB2_2-.Ltmp0, $4  }
0x1e: {  	s15 =	sadd.s32 s16, s17;
	[sflag:s14] =	ssyncadd.s32 $0xFFFFFC00  }
0x1f: {  	[hbm4b:s15+s2] =	stream.linear.scatter [tilespmem:s7], [sflag:$0x2], $0xC400, $0x38;
	[tilespmem:$0xC600] =	vst v63  }
0x20: {  	_ =	swait.ge [sflag:s3], $0xC400  }
0x21: {  	s16 =	sadd.s32 $0xFFFFFFFF, s31;
	[sflag:s3] =	ssyncset.done $0x0  }
.LBB2_1:
0x22: {  	p0 =	sne.s32 s16, $0x1;
	s16 =	sadd.s32 $0xFFFFFFFF, s16;
	[sflag:s3] =	ssyncadd.s32 $0xFFFF3C00  }
0x23: {  	[tilespmem:s2], [sflag:$0x2] =	stream.linear.gather [hbm4b:s4+s2], $0x188, $0x38;
	[tilespmem:$0xC600] =	vst v63  }
0x24: {  	_ =	swait.ge [sflag:s3], $0x188  }
0x25: {  	[sflag:s3] =	ssyncset.done $0x0  }
0x26: {  	[sflag:s3] =	ssyncadd.s32 $0xFFFFFE78  }
0x27: {  	[tilespmem:s7], [sflag:$0x1] =	stream.indirect.gather [hbm4b:s5+s6], $0x80, s2, s6, $0xb8;
	[tilespmem:$0xC600] =	vst v63  }
0x28: {  	_ = 	snop  }
0x29: {  	[tilespmem:s8], [sflag:$0x1] =	stream.indirect.gather [hbm4b:s5+s6], $0x80, s6, s6, $0xb8;
	[tilespmem:$0xC600] =	vst v63  }
0x2a: {  	_ = 	snop  }
0x2b: {  	[tilespmem:s10], [sflag:$0x1] =	stream.indirect.gather [hbm4b:s5+s6], $0x80, s9, s6, $0xb8;
	[tilespmem:$0xC600] =	vst v63  }
0x2c: {  	_ = 	snop  }
0x2d: {  	[tilespmem:s13], [sflag:$0x1] =	stream.indirect.gather [hbm4b:s5+s11], $0x80, s12, s11, $0xb8;
	[tilespmem:$0xC600] =	vst v63  }
0x2e: {  	_ =	swait.ge [sflag:s14], $0x4000  }
0x2f: {  	[sflag:s14] =	ssyncset.done $0x0  }
0x30: {  	[sflag:s14] =	ssyncadd.s32 $0xFFFFC000  }
0x31: {  	_ =	swait.ge [sflag:s14], $0x4000  }
0x32: {  	[sflag:s14] =	ssyncset.done $0x0  }
0x33: {  	[sflag:s14] =	ssyncadd.s32 $0xFFFFC000  }
0x34: {  	_ =	swait.ge [sflag:s14], $0x4000  }
0x35: {  	[sflag:s14] =	ssyncset.done $0x0  }
0x36: {  	[sflag:s14] =	ssyncadd.s32 $0xFFFFC000  }
0x37: {  	_ =	swait.ge [sflag:s14], $0x400  }
.Ltmp1:
0x38: {  	[sflag:s14] =	ssyncset.done $0x0;
	(pc) =	sbr.rel @p0 .LBB2_1-.Ltmp1, $4  }
0x39: {  	[sflag:s14] =	ssyncadd.s32 $0xFFFFFC00  }
0x3a: {  	[hbm4b:s15+s2] =	stream.linear.scatter [tilespmem:s7], [sflag:$0x2], $0xC400, $0x38;
	[tilespmem:$0xC600] =	vst v63  }
0x3b: {  	_ =	swait.ge [sflag:s3], $0xC400  }
0x3c: {  	[sflag:s3] =	ssyncset.done $0x0  }
.LBB2_2:
0x3d: {  	[sflag:s3] =	ssyncadd.s32 $0xFFFF3C00  }
0x3e: {  	_ =	sfence.sel $0x180000  }
0x3f: {  	[bflag:$0x0] =	sbarrier.arrive $0xFFFF  }
0x40: {  	p0 =	sne.s32 s0, $0x0;
	_ =	strace $0x90000047  }
0x41: {  	s0 =	sadd.s32 @!p0 $0x100000, s1;
	[bflag:$0x2] =	sbarrier.arrive $0xFFFF  }
0x42: {  	[sflag:s0] =	ssyncadd.tile.s32 @!p0 $0x1;
	_ =	shalt  }
.Lfunc_end2:
_tile_overlayer_lowered:
.L_overlay_start_2:
0x43: {  	(tag) =	ssettag $0x2  }
0x44: {  	s0 =	rddreg [dreg:$0x0];
	s2 =	stileid.u32  }
0x45: {  	s1 =	rddreg [dreg:$0x1];
	p0 =	sne.s32 s2, $0x0  }
0x46: {  	s3 =	rddreg [dreg:$0x2];
	[bflag:$0x3] =	sbarrier.arrive $0xFFFF;
	s2 =	simm.s32 @!p0 $0x1C02  }
0x47: {  	[timem:s3], [sflag:s2] =	dma.local @!p0 [hbm:s0], s1  }
0x48: {  	s0 =	simm.s32 @!p0 $0x2  }
0x49: {  	_ =	swait.ge @!p0 [sflag:s0], s1  }
0x4a: {  	s1 =	ssub.s32 @!p0 $0x0, s1;
	[sflag:s0] =	ssyncset.done @!p0 $0x0  }
0x4b: {  	[sflag:s0] =	ssyncadd.s32 @!p0 s1  }
0x4c: {  	[bflag:$0x3] =	sbarrier.arrive $0xFFFF  }
0x4d: {  	_ =	shalt  }

</sc_bundles>
